<compile_context>
chip_gen: v7x
topology: tpu7x:2x2x1
jax: 0.10.2.dev20260603
libtpu: 0.0.44.dev20260713+nightly
codegen_flags: <defaults>
</compile_context>

<pallas_src>
import functools

import jax
import jax.numpy as jnp
from jax import lax
from jax.experimental import pallas as pl
from jax.experimental.pallas import tpu as pltpu
from jax.experimental.pallas import tpu_sc as plsc

BATCH = 4096
NCOMP = 8
VOCAB = 1000
ROW = NCOMP * VOCAB
NCORES = 2
NSUBCORES = 16
NWORKERS = NCORES * NSUBCORES
TC_ROWS = 2560
SC_ROWS = BATCH - TC_ROWS
ROWS_PER_W = SC_ROWS // NWORKERS
NFULL = VOCAB // 16
REM_OFF = NFULL * 16
NEG_BIG = -3.0e38
LN2 = 0.6931471805599453


def _ln16(z):
    bits = lax.bitcast_convert_type(z, jnp.int32)
    e = lax.shift_right_logical(bits, jnp.int32(23)) - jnp.int32(127)
    mbits = (bits & jnp.int32(0x007FFFFF)) | jnp.int32(0x3F800000)
    m = lax.bitcast_convert_type(mbits, jnp.float32)
    big = m > 1.4142135
    m = jnp.where(big, m * 0.5, m)
    e = e + jnp.where(big, jnp.int32(1), jnp.int32(0))
    t = (m - 1.0) / (m + 1.0)
    t2 = t * t
    w = t2 * (1.0 / 9.0) + (1.0 / 7.0)
    w = w * t2 + (1.0 / 5.0)
    w = w * t2 + (1.0 / 3.0)
    w = w * t2 + 1.0
    ln_m = 2.0 * t * w
    return ln_m + e.astype(jnp.float32) * LN2


GROUP = 8


def _compute_row(buf, base, row_local, stobuf, lane, lm8):

    zvec = jnp.ones((16,), jnp.float32)
    tvec = jnp.zeros((16,), jnp.float32)
    mvec = jnp.zeros((16,), jnp.int32)
    for c in range(NCOMP):
        off0 = base + c * VOCAB
        m = [jnp.full((16,), NEG_BIG, jnp.float32) for _ in range(4)]
        idx = [jnp.zeros((16,), jnp.int32) for _ in range(4)]
        zz = [jnp.zeros((16,), jnp.float32) for _ in range(4)]
        tt = [jnp.zeros((16,), jnp.float32) for _ in range(4)]
        for j in range(NFULL):
            k = j & 3
            v = buf[pl.ds(off0 + j * 16, 16)]
            ex = jnp.exp(v)
            zz[k] = zz[k] + ex
            tt[k] = tt[k] + v * ex
            gt = v > m[k]
            m[k] = jnp.maximum(m[k], v)
            idx[k] = jnp.where(gt, jnp.int32(j), idx[k])
        v = buf[pl.ds(off0 + REM_OFF, 16)]
        v0 = jnp.where(lm8, v, 0.0)
        ex = jnp.where(lm8, jnp.exp(v0), 0.0)
        vn = jnp.where(lm8, v, NEG_BIG)
        gt = vn > m[0]
        m[0] = jnp.maximum(m[0], vn)
        idx[0] = jnp.where(gt, jnp.int32(NFULL), idx[0])
        zz[0] = zz[0] + ex
        tt[0] = tt[0] + v0 * ex

        def comb(a, b):
            ma, ia = a
            mb, ib = b
            take = (mb > ma) | ((mb == ma) & (ib < ia))
            return jnp.where(take, mb, ma), jnp.where(take, ib, ia)

        mc, ic = comb(
            comb((m[0], idx[0]), (m[1], idx[1])),
            comb((m[2], idx[2]), (m[3], idx[3])),
        )
        gidx = ic * 16 + lane
        mx = jnp.max(mc)
        cand = jnp.where(mc == mx, gidx, jnp.int32(1 << 30))
        amax = jnp.min(cand)
        zs = jnp.sum((zz[0] + zz[1]) + (zz[2] + zz[3]))
        ts = jnp.sum((tt[0] + tt[1]) + (tt[2] + tt[3]))
        lc = lane == c
        zvec = jnp.where(lc, zs, zvec)
        tvec = jnp.where(lc, ts, tvec)
        mvec = jnp.where(lc, amax, mvec)

    ent = jnp.sum(_ln16(zvec) - tvec / zvec)
    entbits = lax.bitcast_convert_type(jnp.full((16,), ent, jnp.float32),
                                       jnp.int32)
    packed = jnp.where(lane == 8, entbits, mvec)
    stobuf[pl.ds(pl.multiple_of(row_local * 16, 16), 16)] = packed


def _body(x_hbm, out_hbm, buf, stobuf, sem):
    wid = lax.axis_index("s") * NCORES + lax.axis_index("c")
    base_row = TC_ROWS + wid * ROWS_PER_W
    lane = lax.iota(jnp.int32, 16)
    lm8 = lane < 8

    blk = GROUP * ROW
    ngrp = ROWS_PER_W // GROUP

    def dma_in(grp, parity):
        src = x_hbm.at[pl.ds(base_row * ROW + grp * blk, blk)]
        dst = buf.at[pl.ds(parity * blk, blk)]
        pltpu.async_copy(src, dst, sem.at[parity])

    dma_in(0, 0)
    dma_in(1, 1)

    def gbody(i, carry):
        parity = jnp.bitwise_and(i, 1)
        pbase = pl.multiple_of(parity * blk, 8)
        pltpu.make_async_copy(
            x_hbm.at[pl.ds(0, blk)],
            buf.at[pl.ds(pbase, blk)],
            sem.at[parity],
        ).wait()
        def rbody(r, carry2):
            _compute_row(buf, pbase + r * ROW, i * GROUP + r, stobuf,
                         lane, lm8)
            return carry2

        lax.fori_loop(0, GROUP, rbody, 0)
        nxt = jnp.where(i + 2 < ngrp, i + 2, i)
        dma_in(nxt, parity)
        return carry

    lax.fori_loop(0, ngrp, gbody, 0)
    for parity in (0, 1):
        pltpu.make_async_copy(
            x_hbm.at[pl.ds(0, blk)],
            buf.at[pl.ds(parity * blk, blk)],
            sem.at[parity],
        ).wait()
    pltpu.sync_copy(
        stobuf, out_hbm.at[pl.ds(wid * ROWS_PER_W * 16, ROWS_PER_W * 16)]
    )


_sc_head = functools.partial(
    pl.kernel,
    out_type=jax.ShapeDtypeStruct((SC_ROWS * 16,), jnp.int32),
    compiler_params=pltpu.CompilerParams(needs_layout_passes=False),
    mesh=plsc.VectorSubcoreMesh(
        core_axis_name="c", subcore_axis_name="s",
        num_cores=NCORES, num_subcores=NSUBCORES,
    ),
    scratch_types=[
        pltpu.VMEM((2 * GROUP * ROW + 16,), jnp.float32),
        pltpu.VMEM((ROWS_PER_W * 16,), jnp.int32),
        pltpu.SemaphoreType.DMA((2,)),
    ],
)(_body)


TCBR = 64


def _tc_body(x_ref, mode_ref, ent_ref):
    ent = None
    idxs = []
    for c in range(NCOMP):
        xc = x_ref[:, c, :]
        m = jnp.max(xc, axis=1, keepdims=True)
        iota = lax.broadcasted_iota(jnp.int32, (TCBR, VOCAB), 1)
        idx = jnp.min(jnp.where(xc == m, iota, jnp.int32(1 << 30)), axis=1)
        idxs.append(idx)
        sh = xc - m
        e = jnp.exp(sh)
        z = jnp.sum(e, axis=1)
        t = jnp.sum(sh * e, axis=1)
        ec = jnp.log(z) - t / z
        ent = ec if ent is None else ent + ec
    mode_ref[...] = jnp.stack(idxs, axis=1)
    ent_ref[...] = ent[:, None]


def _tc_head(x3, nrows):
    return pl.pallas_call(
        _tc_body,
        grid=(nrows // TCBR,),
        in_specs=[pl.BlockSpec((TCBR, NCOMP, VOCAB), lambda i: (i, 0, 0))],
        out_specs=(
            pl.BlockSpec((TCBR, NCOMP), lambda i: (i, 0)),
            pl.BlockSpec((TCBR, 1), lambda i: (i, 0)),
        ),
        out_shape=(
            jax.ShapeDtypeStruct((nrows, NCOMP), jnp.int32),
            jax.ShapeDtypeStruct((nrows, 1), jnp.float32),
        ),
        compiler_params=pltpu.CompilerParams(
            dimension_semantics=("arbitrary",),
        ),
    )(x3)



def _probe_body(x_hbm, out_hbm, buf, stv, sem):
    wid = lax.axis_index("s") * NCORES + lax.axis_index("c")
    base_row = wid * (BATCH // NWORKERS)
    ngrp = (BATCH // NWORKERS) // GROUP

    def dma_in(grp, parity):
        src = x_hbm.at[pl.ds(base_row + grp * GROUP, GROUP)]
        dst = buf.at[pl.ds(parity * GROUP, GROUP)]
        pltpu.async_copy(src, dst, sem.at[parity])

    dma_in(0, 0)
    dma_in(1, 1)

    def gbody(i, carry):
        parity = jnp.bitwise_and(i, 1)
        pltpu.make_async_copy(
            x_hbm.at[pl.ds(0, GROUP)],
            buf.at[pl.ds(parity * GROUP, GROUP)],
            sem.at[parity],
        ).wait()
        nxt = jnp.where(i + 2 < ngrp, i + 2, i)
        dma_in(nxt, parity)
        return carry

    lax.fori_loop(0, ngrp, gbody, 0)
    for parity in (0, 1):
        pltpu.make_async_copy(
            x_hbm.at[pl.ds(0, GROUP)],
            buf.at[pl.ds(parity * GROUP, GROUP)],
            sem.at[parity],
        ).wait()
    v = buf[0, pl.ds(0, 16)]
    stv[pl.ds(0, 16)] = lax.bitcast_convert_type(v, jnp.int32)
    pltpu.sync_copy(stv, out_hbm.at[pl.ds(wid * 16, 16)])


_probe = functools.partial(
    pl.kernel,
    out_type=jax.ShapeDtypeStruct((NWORKERS * 16,), jnp.int32),
    compiler_params=pltpu.CompilerParams(needs_layout_passes=False),
    mesh=plsc.VectorSubcoreMesh(
        core_axis_name="c", subcore_axis_name="s",
        num_cores=NCORES, num_subcores=NSUBCORES,
    ),
    scratch_types=[
        pltpu.VMEM((2 * GROUP, ROW), jnp.float32),
        pltpu.VMEM((16,), jnp.int32),
        pltpu.SemaphoreType.DMA((2,)),
    ],
)(_probe_body)


@jax.jit
def kernel(x):
    o = _probe(x)
    mode = jnp.zeros((BATCH, NCOMP), jnp.int32) + o[0]
    ent = jnp.zeros((BATCH,), jnp.float32)
    return mode, ent

# --- scband reference (transcript-rebuilt; emitter-appended) ---
"""Pipeline reference for scband-multi-categorical-head-80728205296021 (READ-ONLY COPY).

The authoritative reference and input builder live on the scoring server;
editing this copy changes nothing except your own understanding.
"""

import jax, jax.numpy as jnp
import numpy as np

ACTION_DIMS = (1000, 1000, 1000, 1000, 1000, 1000, 1000, 1000)
BATCH = 4096


def setup_inputs(seed: int = 0) -> dict:
    key = jax.random.key(seed)
    x = jax.random.normal(key, (BATCH, sum(ACTION_DIMS)), dtype=jnp.float32)
    return {"x": x}


def reference(x):
    # MultiCategoricalHead.forward builds a MultiCategorical from logits x by
    # splitting along the last dim into per-component Categorical distributions.
    # We materialize the deterministic distribution outputs: mode() and entropy().
    split_points = np.cumsum(np.array(ACTION_DIMS))[:-1].tolist()
    splits = jnp.split(x, split_points, axis=-1)
    modes = []
    entropies = []
    for s in splits:
        # Categorical(logits=s): normalized log-probs
        logp = jax.nn.log_softmax(s, axis=-1)
        p = jnp.exp(logp)
        # torch.distributions.Categorical.entropy()
        entropies.append(-jnp.sum(p * logp, axis=-1))
        # Categorical.mode(): argmax of logits
        modes.append(jnp.argmax(s, axis=-1))
    # MultiCategorical.mode(): stack per-component modes along last dim
    mode = jnp.stack(modes, axis=-1)
    # MultiCategorical.entropy(): sum of per-component entropies
    entropy = jnp.stack(entropies, axis=-1).sum(axis=-1)
    return mode, entropy

if __name__ == "__main__":
    import jax
    _d = setup_inputs()
    print(jax.jit(kernel)(*tuple(_d.values())))

</pallas_src>

<mosaic_0001>
#map = affine_map<(d0, d1) -> (0, 0)>
#map1 = affine_map<(d0, d1) -> (0)>
module attributes {stable_mosaic.version = 14 : i64} {
  func.func @_probe_body(%arg0: i32, %arg1: i32, %arg2: memref<4096x8000xf32, #tpu.memory_space<hbm>>, %arg3: memref<512xi32, #tpu.memory_space<hbm>>, %arg4: memref<16x8000xf32, #tpu.memory_space<vmem>>, %arg5: memref<16xi32, #tpu.memory_space<vmem>>, %arg6: memref<2x!tpu.dma_semaphore, #tpu.memory_space<semaphore_mem>>) attributes {dimension_semantics = [#tpu.dimension_semantics<core_parallel>, #tpu.dimension_semantics<subcore_parallel>], iteration_bounds = array<i64: 2, 16>, scalar_prefetch = 0 : i64, scratch_operands = 3 : i64, tpu.core_type = #tpu.core_type<sc_vector_subcore>, window_params = [{transform_indices = #map}, {transform_indices = #map1}]} {
    %mul3A = arith.constant 2 : i32
    %mul3A_0 = arith.muli %arg1, %mul3A : i32
    %add3A = arith.addi %mul3A_0, %arg0 : i32
    %mul3A_1 = arith.constant 128 : i32
    %mul3A_2 = arith.muli %add3A, %mul3A_1 : i32
    %add3A_3 = arith.constant 0 : i32
    %add3A_4 = arith.addi %mul3A_2, %add3A_3 : i32
    %dma_start3A = arith.constant 0 : i32
    %dma_start3A_5 = arith.constant 0 : i32
    %dma_start3A_6 = arith.constant 0 : i32
    %dma_start3A_7 = tpu.memref_slice %arg4[%dma_start3A_5, %dma_start3A_6] : memref<16x8000xf32, #tpu.memory_space<vmem>> -> memref<8x8000xf32, #tpu.memory_space<vmem>>
    %dma_start3A_8 = arith.constant 0 : i32
    %dma_start3A_9 = tpu.memref_slice %arg2[%add3A_4, %dma_start3A_8] : memref<4096x8000xf32, #tpu.memory_space<hbm>> -> memref<8x8000xf32, #tpu.memory_space<hbm>>
    %dma_start3A_10 = tpu.memref_slice %arg6[%dma_start3A] : memref<2x!tpu.dma_semaphore, #tpu.memory_space<semaphore_mem>> -> memref<1x!tpu.dma_semaphore, #tpu.memory_space<semaphore_mem>>
    %dma_start3A_11 = tpu.memref_squeeze %dma_start3A_10 : memref<1x!tpu.dma_semaphore, #tpu.memory_space<semaphore_mem>> -> memref<!tpu.dma_semaphore, #tpu.memory_space<semaphore_mem>>
    %dma_start3A_12 = arith.constant 0 : i32
    %dma_start3A_13 = arith.constant 0 : i32
    %dma_start3A_14 = tpu.memref_slice %arg4[%dma_start3A_12, %dma_start3A_13] : memref<16x8000xf32, #tpu.memory_space<vmem>> -> memref<8x8000xf32, #tpu.memory_space<vmem>>
    %dma_start3A_15 = arith.constant 0 : i32
    %dma_start3A_16 = tpu.memref_slice %arg2[%add3A_4, %dma_start3A_15] : memref<4096x8000xf32, #tpu.memory_space<hbm>> -> memref<8x8000xf32, #tpu.memory_space<hbm>>
    tpu.enqueue_dma source(%dma_start3A_16 : memref<8x8000xf32, #tpu.memory_space<hbm>>) target(%dma_start3A_14 : memref<8x8000xf32, #tpu.memory_space<vmem>>) target_semaphore(%dma_start3A_11 : memref<!tpu.dma_semaphore, #tpu.memory_space<semaphore_mem>>)
    %add3A_17 = arith.constant 8 : i32
    %add3A_18 = arith.addi %mul3A_2, %add3A_17 : i32
    %dma_start3A_19 = arith.constant 1 : i32
    %dma_start3A_20 = arith.constant 8 : i32
    %dma_start3A_21 = arith.constant 0 : i32
    %dma_start3A_22 = tpu.memref_slice %arg4[%dma_start3A_20, %dma_start3A_21] : memref<16x8000xf32, #tpu.memory_space<vmem>> -> memref<8x8000xf32, #tpu.memory_space<vmem>>
    %dma_start3A_23 = arith.constant 0 : i32
    %dma_start3A_24 = tpu.memref_slice %arg2[%add3A_18, %dma_start3A_23] : memref<4096x8000xf32, #tpu.memory_space<hbm>> -> memref<8x8000xf32, #tpu.memory_space<hbm>>
    %dma_start3A_25 = tpu.memref_slice %arg6[%dma_start3A_19] : memref<2x!tpu.dma_semaphore, #tpu.memory_space<semaphore_mem>> -> memref<1x!tpu.dma_semaphore, #tpu.memory_space<semaphore_mem>>
    %dma_start3A_26 = tpu.memref_squeeze %dma_start3A_25 : memref<1x!tpu.dma_semaphore, #tpu.memory_space<semaphore_mem>> -> memref<!tpu.dma_semaphore, #tpu.memory_space<semaphore_mem>>
    %dma_start3A_27 = arith.constant 8 : i32
    %dma_start3A_28 = arith.constant 0 : i32
    %dma_start3A_29 = tpu.memref_slice %arg4[%dma_start3A_27, %dma_start3A_28] : memref<16x8000xf32, #tpu.memory_space<vmem>> -> memref<8x8000xf32, #tpu.memory_space<vmem>>
    %dma_start3A_30 = arith.constant 0 : i32
    %dma_start3A_31 = tpu.memref_slice %arg2[%add3A_18, %dma_start3A_30] : memref<4096x8000xf32, #tpu.memory_space<hbm>> -> memref<8x8000xf32, #tpu.memory_space<hbm>>
    tpu.enqueue_dma source(%dma_start3A_31 : memref<8x8000xf32, #tpu.memory_space<hbm>>) target(%dma_start3A_29 : memref<8x8000xf32, #tpu.memory_space<vmem>>) target_semaphore(%dma_start3A_26 : memref<!tpu.dma_semaphore, #tpu.memory_space<semaphore_mem>>)
    %scan3A = arith.constant 0 : i32
    %scan3A_32 = arith.constant 0 : i32
    %scan3A_33 = arith.constant 16 : i32
    %scan3A_34 = arith.addi %scan3A_32, %scan3A_33 : i32
    %scan3A_35 = arith.constant 1 : i32
    scf.for %scan3A_72 = %scan3A_32 to %scan3A_34 step %scan3A_35  : i32 {
      %and3A = arith.constant 1 : i32
      %and3A_73 = arith.andi %scan3A_72, %and3A : i32
      %mul3A_74 = arith.constant 8 : i32
      %mul3A_75 = arith.muli %and3A_73, %mul3A_74 : i32
      %dma_wait3A_76 = arith.constant 0 : i32
      %dma_wait3A_77 = tpu.memref_slice %arg4[%mul3A_75, %dma_wait3A_76] : memref<16x8000xf32, #tpu.memory_space<vmem>> -> memref<8x8000xf32, #tpu.memory_space<vmem>>
      %dma_wait3A_78 = arith.constant 0 : i32
      %dma_wait3A_79 = arith.constant 0 : i32
      %dma_wait3A_80 = tpu.memref_slice %arg2[%dma_wait3A_78, %dma_wait3A_79] : memref<4096x8000xf32, #tpu.memory_space<hbm>> -> memref<8x8000xf32, #tpu.memory_space<hbm>>
      %dma_wait3A_81 = tpu.memref_slice %arg6[%and3A_73] : memref<2x!tpu.dma_semaphore, #tpu.memory_space<semaphore_mem>> -> memref<1x!tpu.dma_semaphore, #tpu.memory_space<semaphore_mem>>
      %dma_wait3A_82 = tpu.memref_squeeze %dma_wait3A_81 : memref<1x!tpu.dma_semaphore, #tpu.memory_space<semaphore_mem>> -> memref<!tpu.dma_semaphore, #tpu.memory_space<semaphore_mem>>
      %dma_wait3A_83 = arith.constant 0 : i32
      %dma_wait3A_84 = tpu.memref_slice %arg4[%mul3A_75, %dma_wait3A_83] : memref<16x8000xf32, #tpu.memory_space<vmem>> -> memref<8x8000xf32, #tpu.memory_space<vmem>>
      %dma_wait3A_85 = arith.constant 0 : i32
      %dma_wait3A_86 = arith.constant 0 : i32
      %dma_wait3A_87 = tpu.memref_slice %arg2[%dma_wait3A_85, %dma_wait3A_86] : memref<4096x8000xf32, #tpu.memory_space<hbm>> -> memref<8x8000xf32, #tpu.memory_space<hbm>>
      tpu.wait_dma2 semaphore(%dma_wait3A_82 : memref<!tpu.dma_semaphore, #tpu.memory_space<semaphore_mem>>) src(%dma_wait3A_87 : memref<8x8000xf32, #tpu.memory_space<hbm>>) dst(%dma_wait3A_84 : memref<8x8000xf32, #tpu.memory_space<vmem>>)
      %add3A_88 = arith.constant 2 : i32
      %add3A_89 = arith.addi %scan3A_72, %add3A_88 : i32
      %lt3A = arith.constant 16 : i32
      %lt3A_90 = arith.cmpi slt, %add3A_89, %lt3A : i32
      %add3A_91 = arith.constant 2 : i32
      %add3A_92 = arith.addi %scan3A_72, %add3A_91 : i32
      %select_n3A = arith.select %lt3A_90, %add3A_92, %scan3A_72 : i32
      %mul3A_93 = arith.constant 8 : i32
      %mul3A_94 = arith.muli %select_n3A, %mul3A_93 : i32
      %add3A_95 = arith.addi %mul3A_2, %mul3A_94 : i32
      %mul3A_96 = arith.constant 8 : i32
      %mul3A_97 = arith.muli %and3A_73, %mul3A_96 : i32
      %dma_start3A_98 = arith.constant 0 : i32
      %dma_start3A_99 = tpu.memref_slice %arg4[%mul3A_97, %dma_start3A_98] : memref<16x8000xf32, #tpu.memory_space<vmem>> -> memref<8x8000xf32, #tpu.memory_space<vmem>>
      %dma_start3A_100 = arith.constant 0 : i32
      %dma_start3A_101 = tpu.memref_slice %arg2[%add3A_95, %dma_start3A_100] : memref<4096x8000xf32, #tpu.memory_space<hbm>> -> memref<8x8000xf32, #tpu.memory_space<hbm>>
      %dma_start3A_102 = tpu.memref_slice %arg6[%and3A_73] : memref<2x!tpu.dma_semaphore, #tpu.memory_space<semaphore_mem>> -> memref<1x!tpu.dma_semaphore, #tpu.memory_space<semaphore_mem>>
      %dma_start3A_103 = tpu.memref_squeeze %dma_start3A_102 : memref<1x!tpu.dma_semaphore, #tpu.memory_space<semaphore_mem>> -> memref<!tpu.dma_semaphore, #tpu.memory_space<semaphore_mem>>
      %dma_start3A_104 = arith.constant 0 : i32
      %dma_start3A_105 = tpu.memref_slice %arg4[%mul3A_97, %dma_start3A_104] : memref<16x8000xf32, #tpu.memory_space<vmem>> -> memref<8x8000xf32, #tpu.memory_space<vmem>>
      %dma_start3A_106 = arith.constant 0 : i32
      %dma_start3A_107 = tpu.memref_slice %arg2[%add3A_95, %dma_start3A_106] : memref<4096x8000xf32, #tpu.memory_space<hbm>> -> memref<8x8000xf32, #tpu.memory_space<hbm>>
      tpu.enqueue_dma source(%dma_start3A_107 : memref<8x8000xf32, #tpu.memory_space<hbm>>) target(%dma_start3A_105 : memref<8x8000xf32, #tpu.memory_space<vmem>>) target_semaphore(%dma_start3A_103 : memref<!tpu.dma_semaphore, #tpu.memory_space<semaphore_mem>>)
    }
    %scan3A_36 = arith.constant 16 : i32
    %dma_wait3A = arith.constant 0 : i32
    %dma_wait3A_37 = arith.constant 0 : i32
    %dma_wait3A_38 = arith.constant 0 : i32
    %dma_wait3A_39 = tpu.memref_slice %arg4[%dma_wait3A_37, %dma_wait3A_38] : memref<16x8000xf32, #tpu.memory_space<vmem>> -> memref<8x8000xf32, #tpu.memory_space<vmem>>
    %dma_wait3A_40 = arith.constant 0 : i32
    %dma_wait3A_41 = arith.constant 0 : i32
    %dma_wait3A_42 = tpu.memref_slice %arg2[%dma_wait3A_40, %dma_wait3A_41] : memref<4096x8000xf32, #tpu.memory_space<hbm>> -> memref<8x8000xf32, #tpu.memory_space<hbm>>
    %dma_wait3A_43 = tpu.memref_slice %arg6[%dma_wait3A] : memref<2x!tpu.dma_semaphore, #tpu.memory_space<semaphore_mem>> -> memref<1x!tpu.dma_semaphore, #tpu.memory_space<semaphore_mem>>
    %dma_wait3A_44 = tpu.memref_squeeze %dma_wait3A_43 : memref<1x!tpu.dma_semaphore, #tpu.memory_space<semaphore_mem>> -> memref<!tpu.dma_semaphore, #tpu.memory_space<semaphore_mem>>
    %dma_wait3A_45 = arith.constant 0 : i32
    %dma_wait3A_46 = arith.constant 0 : i32
    %dma_wait3A_47 = tpu.memref_slice %arg4[%dma_wait3A_45, %dma_wait3A_46] : memref<16x8000xf32, #tpu.memory_space<vmem>> -> memref<8x8000xf32, #tpu.memory_space<vmem>>
    %dma_wait3A_48 = arith.constant 0 : i32
    %dma_wait3A_49 = arith.constant 0 : i32
    %dma_wait3A_50 = tpu.memref_slice %arg2[%dma_wait3A_48, %dma_wait3A_49] : memref<4096x8000xf32, #tpu.memory_space<hbm>> -> memref<8x8000xf32, #tpu.memory_space<hbm>>
    tpu.wait_dma2 semaphore(%dma_wait3A_44 : memref<!tpu.dma_semaphore, #tpu.memory_space<semaphore_mem>>) src(%dma_wait3A_50 : memref<8x8000xf32, #tpu.memory_space<hbm>>) dst(%dma_wait3A_47 : memref<8x8000xf32, #tpu.memory_space<vmem>>)
    %dma_wait3A_51 = arith.constant 1 : i32
    %dma_wait3A_52 = arith.constant 8 : i32
    %dma_wait3A_53 = arith.constant 0 : i32
    %dma_wait3A_54 = tpu.memref_slice %arg4[%dma_wait3A_52, %dma_wait3A_53] : memref<16x8000xf32, #tpu.memory_space<vmem>> -> memref<8x8000xf32, #tpu.memory_space<vmem>>
    %dma_wait3A_55 = arith.constant 0 : i32
    %dma_wait3A_56 = arith.constant 0 : i32
    %dma_wait3A_57 = tpu.memref_slice %arg2[%dma_wait3A_55, %dma_wait3A_56] : memref<4096x8000xf32, #tpu.memory_space<hbm>> -> memref<8x8000xf32, #tpu.memory_space<hbm>>
    %dma_wait3A_58 = tpu.memref_slice %arg6[%dma_wait3A_51] : memref<2x!tpu.dma_semaphore, #tpu.memory_space<semaphore_mem>> -> memref<1x!tpu.dma_semaphore, #tpu.memory_space<semaphore_mem>>
    %dma_wait3A_59 = tpu.memref_squeeze %dma_wait3A_58 : memref<1x!tpu.dma_semaphore, #tpu.memory_space<semaphore_mem>> -> memref<!tpu.dma_semaphore, #tpu.memory_space<semaphore_mem>>
    %dma_wait3A_60 = arith.constant 8 : i32
    %dma_wait3A_61 = arith.constant 0 : i32
    %dma_wait3A_62 = tpu.memref_slice %arg4[%dma_wait3A_60, %dma_wait3A_61] : memref<16x8000xf32, #tpu.memory_space<vmem>> -> memref<8x8000xf32, #tpu.memory_space<vmem>>
    %dma_wait3A_63 = arith.constant 0 : i32
    %dma_wait3A_64 = arith.constant 0 : i32
    %dma_wait3A_65 = tpu.memref_slice %arg2[%dma_wait3A_63, %dma_wait3A_64] : memref<4096x8000xf32, #tpu.memory_space<hbm>> -> memref<8x8000xf32, #tpu.memory_space<hbm>>
    tpu.wait_dma2 semaphore(%dma_wait3A_59 : memref<!tpu.dma_semaphore, #tpu.memory_space<semaphore_mem>>) src(%dma_wait3A_65 : memref<8x8000xf32, #tpu.memory_space<hbm>>) dst(%dma_wait3A_62 : memref<8x8000xf32, #tpu.memory_space<vmem>>)
    %get3A = arith.constant 0 : i32
    %get3A_66 = arith.index_cast %get3A : i32 to index
    %get3A_67 = arith.constant 0 : index
    %get3A_68 = tpu.vector_load %arg4[%get3A_66, %get3A_67] {strides = array<i32>} : memref<16x8000xf32, #tpu.memory_space<vmem>>, vector<16xf32>,
    %bitcast_convert_type3A = tpu.bitcast %get3A_68 : vector<16xf32> -> vector<16xi32>
    %swap3A = arith.constant 0 : index
    %swap3A_69 = tpu.vector_load %arg5[%swap3A] {strides = array<i32>} : memref<16xi32, #tpu.memory_space<vmem>>, vector<16xi32>,
    tpu.vector_store %arg5[%swap3A], %bitcast_convert_type3A {strides = array<i32>} : memref<16xi32, #tpu.memory_space<vmem>>, vector<16xi32>,
    %mul3A_70 = arith.constant 16 : i32
    %mul3A_71 = arith.muli %add3A, %mul3A_70 : i32
    "tpu.region"() ({
      %run_scoped3A = tpu.sem_alloc : memref<!tpu.dma_semaphore, #tpu.memory_space<semaphore_mem>>
      %dma_start3A_72 = tpu.memref_slice %arg3[%mul3A_71] : memref<512xi32, #tpu.memory_space<hbm>> -> memref<16xi32, #tpu.memory_space<hbm>>
      %dma_start3A_73 = tpu.memref_slice %arg3[%mul3A_71] : memref<512xi32, #tpu.memory_space<hbm>> -> memref<16xi32, #tpu.memory_space<hbm>>
      tpu.enqueue_dma source(%arg5 : memref<16xi32, #tpu.memory_space<vmem>>) target(%dma_start3A_73 : memref<16xi32, #tpu.memory_space<hbm>>) target_semaphore(%run_scoped3A : memref<!tpu.dma_semaphore, #tpu.memory_space<semaphore_mem>>)
      %dma_wait3A_74 = tpu.memref_slice %arg3[%mul3A_71] : memref<512xi32, #tpu.memory_space<hbm>> -> memref<16xi32, #tpu.memory_space<hbm>>
      %dma_wait3A_75 = tpu.memref_slice %arg3[%mul3A_71] : memref<512xi32, #tpu.memory_space<hbm>> -> memref<16xi32, #tpu.memory_space<hbm>>
      tpu.wait_dma2 semaphore(%run_scoped3A : memref<!tpu.dma_semaphore, #tpu.memory_space<semaphore_mem>>) src(%arg5 : memref<16xi32, #tpu.memory_space<vmem>>) dst(%dma_wait3A_75 : memref<16xi32, #tpu.memory_space<hbm>>)
      tpu.yield
    }) : () -> ()
    return
  }
}

</mosaic_0001>

<sc_bundles>
// kernel: kernel.3.cloned.1.call-start
scs
__scs_entry_jumppad:
0x0: {  	(pc) =	sbr.rel $0x88, $3  }
0x1: {  	(tag) =	ssettag $0x0;
	lr =	simm.s32 $0x1  }
0x2: {  	[smem:$0x3FA0] =	sst lr;
	_ =	strace $0xD0000000  }
0x3: {  	_ = 	snop  }
0x4: {  	_ = 	snop  }
0x5: {  	_ = 	snop  }
0x6: {  	_ = 	snop  }
0x7: {  	_ = 	snop  }
__scs_overlays_trampoline_lowered:
0x8: {  	[smem:$0x3FAF] =	sst s0  }
0x9: {  	[smem:$0x3FB0] =	sst s1  }
0xa: {  	[smem:$0x3FB1] =	sst s2  }
0xb: {  	[smem:$0x3FB2] =	sst s3  }
0xc: {  	[smem:$0x3FB3] =	sst s4  }
0xd: {  	[smem:$0x3FB4] =	sst s5  }
0xe: {  	[smem:$0x3FB5] =	sst s6  }
0xf: {  	[smem:$0x3FB6] =	sst s7  }
0x10: {  	[smem:$0x3FB7] =	sst s8  }
0x11: {  	[smem:$0x3FB8] =	sst s9;
	s0 =	simm.s32 @!p0 $0x0  }
0x12: {  	s1 =	sld [smem:$0x3F9E];
	s0 =	simm.s32 @p0 $0x1  }
0x13: {  	[smem:$0x3FB9] =	sst s0;
	s0 =	simm.s32 @!p1 $0x0  }
0x14: {  	s2 =	sld [smem:$0x3F9D];
	s0 =	simm.s32 @p1 $0x1  }
0x15: {  	[smem:$0x3FBA] =	sst s0;
	s0 =	simm.s32 @!p2 $0x0  }
0x16: {  	s3 =	sld [smem:$0x3FDB];
	s0 =	simm.s32 @p2 $0x1  }
0x17: {  	s4 =	simm.s32 $0x1BF5;
	[smem:$0x3FBC] =	sst s0  }
0x18: {  	s0 =	sld [smem:$0x3F9F];
	_ =	swait.ge [sflag:s4], $0x0  }
0x19: {  	s7 =	sld [smem:$0x3FA0]  }
0x1a: {  	s8 =	sadd.s32 $0xFFFFE003, lr  }
0x1b: {  	s9 =	sadd.s32 $0xFFFFFEF7, lr;
	s5 =	simm.s32 $0xFFFFFFFF;
	p2 =	slt.u32 s8, $0xFFFFF086  }
0x1c: {  	p1 =	slt.u32 s9, $0xF7A;
	s5 =	simm.s32 @!p2 $0x0  }
0x1d: {  	s5 =	simm.s32 @p1 $0x1;
	p0 =	seq.s32 s7, s2  }
0x1e: {  	s7 =	smul.u32 @!p0 $0xF7A, s2;
	p2 =	seq.s32 @!p0 s5, $0x0  }
0x1f: {  	s9 =	smul.u32 $0xF7A, s1;
	s8 =	simm.s32 @!p0 $0x1BF5;
	p2 =	por !p2, p0  }
0x20: {  	[sflag:s8] =	ssyncset.s32 @!p0 $0xFFFFF086;
	s6 =	sadd.s32 @!p0 s3, s7;
	s7 =	simm.s32 @!p0 $0x108  }
0x21: {  	s3 =	sadd.s32 s3, s9;
	s6 =	sadd.s32 @!p0 $0x88, s6;
	s7 =	simm.s32 @p2 $0x1082  }
0x22: {  	[simem:s7], [sflag:s8] =	dma.local @!p0 [hbm:s6], $0xF7A  }
0x23: {  	s9 =	sor.u32 $0xD0000000, s2;
	s6 =	simm.s32 $0x108;
	_ =	swait.ge @!p0 [sflag:s8], $0x0  }
0x24: {  	s3 =	sadd.s32 $0x88, s3;
	s6 =	simm.s32 @!p1 $0x1082;
	[sflag:s4] =	ssyncset.s32 $0xFFFFF086  }
0x25: {  	[simem:s6], [sflag:s4] =	dma.local [hbm:s3], $0xF7A  }
0x26: {  	[smem:$0x3FA0] =	sst s1;
	(tag) =	ssettag s2;
	_ =	strace s9  }
0x27: {  	s1 =	sld [smem:$0x3FB0]  }
0x28: {  	s2 =	sld [smem:$0x3FB1]  }
0x29: {  	s4 =	sld [smem:$0x3FB3]  }
0x2a: {  	p0 =	seq.s32 s5, $0x0;
	s5 =	sld [smem:$0x3FB4]  }
0x2b: {  	s6 =	sld [smem:$0x3FB5]  }
0x2c: {  	s7 =	sld [smem:$0x3FB6]  }
0x2d: {  	s3 =	simm.s32 $0x108;
	s8 =	sld [smem:$0x3FB7]  }
0x2e: {  	s3 =	simm.s32 @!p0 $0x1082;
	s9 =	sld [smem:$0x3FB8]  }
0x2f: {  	lr =	sadd.s32 s0, s3;
	s0 =	sld [smem:$0x3FAF]  }
0x30: {  	s3 =	sld [smem:$0x3FB2]  }
0x31: {  	[smem:$0x3FBB] =	sst s10  }
0x32: {  	s10 =	sld [smem:$0x3FB9];
	_ =	sdelay $0x3  }
0x33: {  	p0 =	seq.s32 s10, $0x1;
	s10 =	sld [smem:$0x3FBB];
	_ =	sdelay $0x3  }
0x34: {  	[smem:$0x3FBB] =	sst s10  }
0x35: {  	s10 =	sld [smem:$0x3FBA];
	_ =	sdelay $0x3  }
0x36: {  	p1 =	seq.s32 s10, $0x1;
	s10 =	sld [smem:$0x3FBB];
	_ =	sdelay $0x3  }
0x37: {  	[smem:$0x3FBB] =	sst s10  }
0x38: {  	s10 =	sld [smem:$0x3FBC]  }
0x39: {  	_ = 	snop;
	(pc) =	sbr.ind lr, $3  }
0x3a: {  	_ = 	snop  }
0x3b: {  	_ = 	snop  }
0x3c: {  	p2 =	seq.s32 s10, $0x1;
	s10 =	sld [smem:$0x3FBB]  }
0x3d: {  	_ =	shalt  }
0x3e: {  	_ =	shalt  }
0x3f: {  	_ =	shalt  }
0x40: {  	_ =	shalt  }
0x41: {  	_ =	shalt  }
0x42: {  	_ =	shalt  }
0x43: {  	_ =	shalt  }
0x44: {  	_ =	shalt  }
0x45: {  	_ =	shalt  }
0x46: {  	_ =	shalt  }
0x47: {  	_ =	shalt  }
0x48: {  	_ =	shalt  }
0x49: {  	_ =	shalt  }
0x4a: {  	_ =	shalt  }
0x4b: {  	_ =	shalt  }
0x4c: {  	_ =	shalt  }
0x4d: {  	_ =	shalt  }
0x4e: {  	_ =	shalt  }
0x4f: {  	_ =	shalt  }
0x50: {  	_ =	shalt  }
0x51: {  	_ =	shalt  }
0x52: {  	_ =	shalt  }
0x53: {  	_ =	shalt  }
0x54: {  	_ =	shalt  }
0x55: {  	_ =	shalt  }
0x56: {  	_ =	shalt  }
0x57: {  	_ =	shalt  }
0x58: {  	_ =	shalt  }
0x59: {  	_ =	shalt  }
0x5a: {  	_ =	shalt  }
0x5b: {  	_ =	shalt  }
0x5c: {  	_ =	shalt  }
0x5d: {  	_ =	shalt  }
0x5e: {  	_ =	shalt  }
0x5f: {  	_ =	shalt  }
0x60: {  	_ =	shalt  }
0x61: {  	_ =	shalt  }
0x62: {  	_ =	shalt  }
0x63: {  	_ =	shalt  }
0x64: {  	_ =	shalt  }
0x65: {  	_ =	shalt  }
0x66: {  	_ =	shalt  }
0x67: {  	_ =	shalt  }
0x68: {  	_ =	shalt  }
0x69: {  	_ =	shalt  }
0x6a: {  	_ =	shalt  }
0x6b: {  	_ =	shalt  }
0x6c: {  	_ =	shalt  }
0x6d: {  	_ =	shalt  }
0x6e: {  	_ =	shalt  }
0x6f: {  	_ =	shalt  }
0x70: {  	_ =	shalt  }
0x71: {  	_ =	shalt  }
0x72: {  	_ =	shalt  }
0x73: {  	_ =	shalt  }
0x74: {  	_ =	shalt  }
0x75: {  	_ =	shalt  }
0x76: {  	_ =	shalt  }
0x77: {  	_ =	shalt  }
0x78: {  	_ =	shalt  }
0x79: {  	_ =	shalt  }
0x7a: {  	_ =	shalt  }
0x7b: {  	_ =	shalt  }
0x7c: {  	_ =	shalt  }
0x7d: {  	_ =	shalt  }
0x7e: {  	_ =	shalt  }
0x7f: {  	_ =	shalt  }
0x80: {  	_ =	shalt  }
0x81: {  	_ =	shalt  }
0x82: {  	_ =	shalt  }
0x83: {  	_ =	shalt  }
0x84: {  	_ =	shalt  }
0x85: {  	_ =	shalt  }
0x86: {  	_ =	shalt  }
0x87: {  	_ =	shalt  }
.Lfunc_end0:
.L_simem_size_0:
called_computation_lowered:
.L_overlay_start_0:
0x88: {  	s2 =	sld [smem:$0x3FD9]  }
0x89: {  	s3 =	sld [smem:$0x3FFE];
	_ =	sdelay $0x1  }
0x8a: {  	s1 =	srdreg.scid  }
0x8b: {  	s0 =	sand.u32 $0x1, s1  }
0x8c: {  	s14 =	sshll.u32 s0, $0xA;
	s2 =	sadd.s32 s3, s2  }
0x8d: {  	s2 =	sadd.s32 s2, s14  }
0x8e: {  	[smem:$0x3FC7] =	sst s2  }
0x8f: {  	_ = 	snop  }
0x90: {  	s2 =	sld [smem:$0x3FD0];
	_ =	sdelay $0x2  }
0x91: {  	s15 =	simm.s32 $0xA;
	s4 =	simm.s32 $0x10  }
0x92: {  	[smem:s4], [sflag:s15] =	dma.local [hbm:s2], $0x1  }
0x93: {  	_ =	swait.eq [sflag:s15], $0x1  }
0x94: {  	[sflag:s15] =	ssyncset.done $0x0  }
0x95: {  	[sflag:s15] =	ssyncadd.s32 $0xFFFFFFFF  }
0x96: {  	s16 =	sld [smem:$0x11];
	(tm) =	ssettm $0x1  }
0x97: {  	s17 =	sld [smem:$0x3FFB];
	_ =	sdelay $0x3  }
0x98: {  	_ =	strace s17  }
0x99: {  	s3 =	sld [smem:$0x3FFC];
	_ =	sdelay $0x3  }
0x9a: {  	_ =	strace s3  }
0x9b: {  	s3 =	sld [smem:$0x3FFD];
	_ =	sdelay $0x3  }
0x9c: {  	_ =	strace s3  }
0x9d: {  	_ =	strace $0x8FFFFFFF  }
0x9e: {  	s18 =	sld [smem:$0x3FDB];
	_ =	sdelay $0x1  }
0x9f: {  	s19 =	simm.s32 $_scs_section_size  }
0xa0: {  	s5 =	simm.s32 $_size__tile_overlayer_lowered;
	s6 =	simm.s32 $_tile_overlayer_lowered  }
0xa1: {  	s22 =	simm.s32 $0x1BFF;
	s21 =	sshll.u32 s6, $0x1;
	s3 =	sadd.s32 s19, s18  }
0xa2: {  	s7 =	simm.s32 $0x0;
	s20 =	sshll.u32 s5, $0x1;
	s5 =	sadd.s32 s21, s3  }
0xa3: {  	[timem:s7], [sflag:s22] =	dma.local [hbm:s5], s20  }
0xa4: {  	_ =	swait.ge [sflag:s22], s20  }
0xa5: {  	s4 =	ssub.s32 $0x0, s20;
	[sflag:s22] =	ssyncset.done $0x0  }
0xa6: {  	[sflag:s22] =	ssyncadd.s32 s4;
	_ =	sdelay $0x1  }
0xa7: {  	s23 =	simm.s32 $0x1B8B  }
0xa8: {  	_ =	swait.ge [sflag:s23], $0x1  }
0xa9: {  	[sflag:s23] =	ssyncset.done $0x0  }
0xaa: {  	s25 =	simm.s32 $0x1B8E;
	s24 =	sld [smem:$0x3FFE];
	[sflag:s23] =	ssyncadd.s32 $0xFFFFFFFF  }
0xab: {  	s26 =	simm.s32 $execute0_lowered;
	[smem:$0x3FD2] =	sst s25  }
0xac: {  	s5 =	sshll.u32 s26, $0x1;
	_ =	strace $0x80000046;
	[dreg:$0x1] =	wrdreg $0xFFFFFFFF  }
0xad: {  	s28 =	simm.s32 $_size_execute0_lowered;
	s3 =	sadd.s32 s3, s5;
	[dreg:$0x0] =	wrdreg $0x0  }
0xae: {  	s5 =	sshll.u32 s28, $0x1;
	[dreg:$0x2] =	wrdreg s3  }
0xaf: {  	[dreg:$0x3] =	wrdreg s5  }
0xb0: {  	[dreg:$0x4] =	wrdreg $0xC0  }
0xb1: {  	_ =	task [dreg:s7], $0x5FFFF  }
0xb2: {  	[dreg:$0x1] =	wrdreg $0xFFFFFFFF  }
0xb3: {  	[dreg:$0x0] =	wrdreg $0x60  }
0xb4: {  	[dreg:$0x2] =	wrdreg s24  }
0xb5: {  	[dreg:$0x3] =	wrdreg s16  }
0xb6: {  	[dreg:$0x4] =	wrdreg $0x9  }
0xb7: {  	_ =	task.clear_ibuf [dreg:s7], $0x5FFFF;
	_ =	strace $0x90000046  }
0xb8: {  	s29 =	simm.s32 $0x9;
	_ =	strace $0x80000048  }
0xb9: {  	_ =	swait.ge [sflag:s29], $0x1  }
0xba: {  	[sflag:s29] =	ssyncadd.s32 $0xFFFFFFFF  }
0xbb: {  	_ =	strace $0x90000048  }
0xbc: {  	_ =	sfence  }
0xbd: {  	s30 =	sld [smem:$0x0];
	_ =	sdelay $0x2  }
0xbe: {  	s31 =	sshll.u32 s1, $0xD;
	s1 =	sshrl.u32 s1, $0x2  }
0xbf: {  	s3 =	sand.u32 $0x4000, s31;
	s1 =	sadd.s32 s1, s30  }
0xc0: {  	s0 =	sor.u32 s3, s0;
	s1 =	sshll.u32 s1, $0x11  }
0xc1: {  	s0 =	sor.u32 s1, s0  }
0xc2: {  	s0 =	sadd.s32 $0x8F2B, s0  }
0xc3: {  	[sflag:s0] =	ssyncadd.remote.s32 $0x1  }
0xc4: {  	_ =	sfence.sel $0xFFFF  }
0xc5: {  	[dreg:$0x0] =	wrdreg $0xFFFFFFFF;
	(pc) =	sbr.abs _section_cstart, $3  }
0xc6: {  	[dreg:$0x1] =	wrdreg $0xFFFFFFFF  }
0xc7: {  	_ =	task.clear_ibuf [dreg:s7], $0x2FFFF;
	_ =	strace $0x9FFFFFFF  }
0xc8: {  	(tm) =	ssettm $0x7FFFFFFF  }
0xc9: {  	_ =	shalt  }
tec
execute0_lowered:
.L_overlay_start_1:
0x0: {  	(tag) =	ssettag $0x1  }
0x1: {  	s3 =	rddreg [dreg:$0x0]  }
0x2: {  	s7 =	rddreg [dreg:$0x1]  }
0x3: {  	s0 =	rddreg [dreg:$0x2];
	s4 =	srdreg.scid  }
0x4: {  	s1 =	stileid.u32;
	s2 =	simm.s32 $0x0;
	s11 =	simm.s32 $0x2  }
0x5: {  	s12 =	simm.s32 $0x1F800;
	s13 =	simm.s32 $0x3;
	s14 =	simm.s32 $0x0  }
0x6: {  	s4 =	sand.u32 $0x1, s4;
	s5 =	sshll.u32 s1, $0x1;
	[smem:$0x7FF] =	sst s2  }
0x7: {  	s3 =	sadd.s32 $0x400, s3;
	s6 =	sor.u32 s4, s5;
	s4 =	ssub.s32 $0x2, s4  }
0x8: {  	_ =	strace $0x80000047;
	s5 =	smul.u32 $0xFC000, s6;
	s8 =	sshrl.u32 s4, $0x1  }
0x9: {  	s9 =	smul.u32 $0x1F800, s6;
	s31 =	sshll.u32 s6, $0x1;
	s8 =	ssub.s32 s4, s8  }
0xa: {  	s4 =	sshll.u32 s6, $0x4;
	s7 =	sadd.s32 s7, s31;
	s10 =	sshrl.u32 s5, $0x3  }
0xb: {  	s5 =	sadd.s32 s3, s9;
	s8 =	smax.u32 s8, $0x1;
	s30 =	sadd.s32 s3, s10  }
0xc: {  	s9 =	simm.s32 $0xFC00;
	s10 =	simm.s32 $0x1;
	s6 =	sadd.s32 $0x1F80, s30  }
.LBB2_1:
0xd: {  	[tilespmem:s2], [sflag:$0x1] =	stream.linear.gather [hbm4b:s5+s2], $0xFC00, $0x38;
	[tilespmem:$0x1F880] =	vst v63  }
0xe: {  	s15 =	sand.u32 $0x1, s2  }
0xf: {  	p1 =	por $0x1, $0x1;
	s19 =	simm.s32 $0x2;
	s16 =	sadd.s32 $0x1, s15  }
0x10: {  	[tilespmem:s9], [sflag:$0x2] =	stream.linear.gather [hbm4b:s6+s2], $0xFC00, $0x38;
	[tilespmem:$0x1F880] =	vst v63  }
0x11: {  	s17 =	simm.s32 $0x1;
	s18 =	simm.s32 $0x0;
	_ =	swait.ge [sflag:s16], $0xFC00  }
.LBB2_2:
0x12: {  	p0 =	sne.s32 s17, $0xF;
	s18 =	smov.u32 @p1 s19  }
0x13: {  	s19 =	smov.u32 s16;
	s20 =	smul.u32 $0x3F000, s15;
	s16 =	sadd.s32 s4, s18  }
0x14: {  	s18 =	smov.u32 s17;
	s21 =	smul.u32 $0x1F80, s16  }
.Ltmp0:
0x15: {  	s15 =	sand.u32 $0x1, s17;
	(pc) =	sbr.rel @p0 .LBB2_2-.Ltmp0, $4  }
0x16: {  	p1 =	slt.u32 s17, $0xE;
	s16 =	sadd.s32 $0x1, s15;
	[sflag:s19] =	ssyncset.done $0x0  }
0x17: {  	s20 =	sshrl.u32 s20, $0x2;
	[sflag:s19] =	ssyncadd.s32 $0xFFFF0400;
	s21 =	sadd.s32 s3, s21  }
0x18: {  	[tilespmem:s20], [sflag:s19] =	stream.linear.gather [hbm4b:s21+s2], $0xFC00, $0x38;
	[tilespmem:$0x1F880] =	vst v63  }
0x19: {  	s17 =	sadd.s32 $0x1, s17;
	s19 =	sadd.s32 $0x2, s18;
	_ =	swait.ge [sflag:s16], $0xFC00  }
0x1a: {  	s18 =	smov.u32 @p1 s19  }
0x1b: {  	s15 =	smul.u32 $0x3F000, s15;
	s17 =	sadd.s32 s4, s18  }
0x1c: {  	s17 =	smul.u32 $0x1F80, s17  }
0x1d: {  	[sflag:s16] =	ssyncset.done $0x0  }
0x1e: {  	[sflag:s16] =	ssyncadd.s32 $0xFFFF0400;
	s15 =	sshrl.u32 s15, $0x2;
	s17 =	sadd.s32 s3, s17  }
0x1f: {  	[tilespmem:s15], [sflag:s16] =	stream.linear.gather [hbm4b:s17+s2], $0xFC00, $0x38;
	[tilespmem:$0x1F880] =	vst v63  }
0x20: {  	_ =	swait.ge [sflag:s10], $0xFC00  }
0x21: {  	[sflag:s10] =	ssyncset.done $0x0  }
0x22: {  	[sflag:s10] =	ssyncadd.s32 $0xFFFF0400  }
0x23: {  	_ =	swait.ge [sflag:s11], $0xFC00  }
0x24: {  	[sflag:s11] =	ssyncset.done $0x0  }
0x25: {  	[sflag:s11] =	ssyncadd.s32 $0xFFFF0400  }
0x26: {  	v0 =	vld [tilespmem:$0x0];
	_ =	sdelay $0x2  }
0x27: {  	s14 =	sadd.s32 $0x1, s14  }
0x28: {  	p0 =	sne.s32 s14, s8  }
.Ltmp1:
0x29: {  	[tilespmem:$0x1F800] =	vst v0;
	(pc) =	sbr.rel @p0 .LBB2_1-.Ltmp1, $4  }
0x2a: {  	[hbm4b:s7+s2] =	stream.linear.scatter [tilespmem:s12], [sflag:$0x3], $0x10, $0x38;
	[tilespmem:$0x1F880] =	vst v63  }
0x2b: {  	_ =	swait.ge [sflag:s13], $0x10  }
0x2c: {  	[sflag:s13] =	ssyncset.done $0x0  }
0x2d: {  	[sflag:s13] =	ssyncadd.s32 $0xFFFFFFF0  }
0x2e: {  	_ =	sfence.sel $0x180000  }
0x2f: {  	[bflag:$0x0] =	sbarrier.arrive $0xFFFF  }
0x30: {  	p0 =	sne.s32 s1, $0x0;
	_ =	strace $0x90000047  }
0x31: {  	s0 =	sadd.s32 @!p0 $0x100000, s0;
	[bflag:$0x2] =	sbarrier.arrive $0xFFFF  }
0x32: {  	[sflag:s0] =	ssyncadd.tile.s32 @!p0 $0x1;
	_ =	shalt  }
.Lfunc_end2:
_tile_overlayer_lowered:
.L_overlay_start_2:
0x33: {  	(tag) =	ssettag $0x2  }
0x34: {  	s0 =	rddreg [dreg:$0x0];
	s2 =	stileid.u32  }
0x35: {  	s1 =	rddreg [dreg:$0x1];
	p0 =	sne.s32 s2, $0x0  }
0x36: {  	s3 =	rddreg [dreg:$0x2];
	[bflag:$0x3] =	sbarrier.arrive $0xFFFF;
	s2 =	simm.s32 @!p0 $0x1C03  }
0x37: {  	[timem:s3], [sflag:s2] =	dma.local @!p0 [hbm:s0], s1  }
0x38: {  	s0 =	simm.s32 @!p0 $0x3  }
0x39: {  	_ =	swait.ge @!p0 [sflag:s0], s1  }
0x3a: {  	s1 =	ssub.s32 @!p0 $0x0, s1;
	[sflag:s0] =	ssyncset.done @!p0 $0x0  }
0x3b: {  	[sflag:s0] =	ssyncadd.s32 @!p0 s1  }
0x3c: {  	[bflag:$0x3] =	sbarrier.arrive $0xFFFF  }
0x3d: {  	_ =	shalt  }

</sc_bundles>
